<compile_context>
chip_gen: v7x
topology: tpu7x:2x2x1
jax: 0.10.2.dev20260603
libtpu: 0.0.44.dev20260713+nightly
codegen_flags: <defaults>
</compile_context>

<pallas_src>
import functools

import jax
import jax.numpy as jnp
from jax import lax
from jax.experimental import pallas as pl
from jax.experimental.pallas import tpu as pltpu
from jax.experimental.pallas import tpu_sc as plsc

_NC = 2
_NS = 16
_NW = _NC * _NS
_MAXCHUNK = 320
_NBUF = 3
_LEAD = 2


def _schedule(b_req):
    sizes = []
    rem = b_req
    while rem - 32 >= _MAXCHUNK:
        sizes.append(_MAXCHUNK)
        rem -= _MAXCHUNK
    if rem > 64:
        sizes.append(rem - 32)
        rem = 32
    if rem > 0:
        sizes.append(rem)
    return tuple(sizes)


@functools.partial(jax.jit, static_argnums=(2,))
def _sc_gather(table, idx, sizes):
    V, D = table.shape
    B = idx.shape[0]
    n_chunks = len(sizes)
    b_per_w = sum(sizes)
    prefix = [sum(sizes[:c]) for c in range(n_chunks)]
    nbuf = min(_NBUF, n_chunks)
    lead = min(_LEAD, nbuf - 1, n_chunks - 1)
    mesh = plsc.VectorSubcoreMesh(core_axis_name="c", subcore_axis_name="s")

    @functools.partial(
        pl.kernel,
        mesh=mesh,
        out_type=jax.ShapeDtypeStruct((B, D), jnp.float32),
        scratch_types=(
            [pltpu.VMEM((b_per_w,), jnp.int32)]
            + [pltpu.VMEM((max(sizes), D), jnp.float32) for _ in range(nbuf)]
            + [pltpu.SemaphoreType.DMA for _ in range(2 * nbuf)]
        ),
    )
    def gather_kernel(table_hbm, idx_hbm, out_hbm, idx_v, *rest):
        rbufs = rest[:nbuf]
        gsems = rest[nbuf:2 * nbuf]
        wsems = rest[2 * nbuf:]
        wid = lax.axis_index("c") * _NS + lax.axis_index("s")
        wbase = pl.multiple_of(jnp.minimum(wid * b_per_w, B - b_per_w), 8)
        starts = [pl.multiple_of(
            jnp.minimum(wbase + prefix[c], B - sizes[c]), 8)
            for c in range(n_chunks)]

        def fire_gather(c):
            off = pl.multiple_of(starts[c] - wbase, 8)
            return pltpu.async_copy(
                table_hbm.at[idx_v.at[pl.ds(off, sizes[c])]],
                rbufs[c % nbuf].at[pl.ds(0, sizes[c])], gsems[c % nbuf])

        gathers = [None] * n_chunks
        writes = [None] * n_chunks
        pltpu.sync_copy(idx_hbm.at[pl.ds(wbase, sizes[0])],
                        idx_v.at[pl.ds(0, sizes[0])])
        gathers[0] = fire_gather(0)
        if n_chunks > 1:
            pltpu.sync_copy(
                idx_hbm.at[pl.ds(wbase + sizes[0], b_per_w - sizes[0])],
                idx_v.at[pl.ds(sizes[0], b_per_w - sizes[0])])
        for c in range(1, lead):
            gathers[c] = fire_gather(c)
        for c in range(n_chunks):
            g = c + lead
            if g < n_chunks:
                if g >= nbuf:
                    writes[g - nbuf].wait()
                gathers[g] = fire_gather(g)
            gathers[c].wait()
            writes[c] = pltpu.async_copy(
                rbufs[c % nbuf].at[pl.ds(0, sizes[c])],
                out_hbm.at[pl.ds(starts[c], sizes[c])], wsems[c % nbuf])
        for c in range(max(0, n_chunks - nbuf), n_chunks):
            writes[c].wait()

    return gather_kernel(table, idx)


def kernel(this_level_g, this_level_h, idx):
    del this_level_g
    B = idx.shape[0]
    b_req = -(-B // (_NW * 8)) * 8
    return _sc_gather(this_level_h, idx.astype(jnp.int32), _schedule(b_req))

# --- scband reference (transcript-rebuilt; emitter-appended) ---
"""Pipeline reference for scband-down-one-21199958573443 (READ-ONLY COPY).

The authoritative reference and input builder live on the scoring server;
editing this copy changes nothing except your own understanding.
"""

import jax, jax.numpy as jnp
import numpy as np


def setup_inputs(seed: int = 0) -> dict:
    key = jax.random.key(seed)
    k1, k2 = jax.random.split(key, 2)
    this_level_g = jnp.zeros((1,), dtype=jnp.float32)  # unused placeholder (graph handle in original)
    this_level_h = jax.random.normal(k1, (100000, 128), dtype=jnp.float32)
    idx = jax.random.randint(k2, (50000,), 0, 100000, dtype=jnp.int64)
    return {"this_level_g": this_level_g, "this_level_h": this_level_h, "idx": idx}


def reference(this_level_g, this_level_h, idx):
    # Faithful translation of Down_One.forward: a pure row-gather.
    # this_level_g, proj, drop, sigmoid are unused in the forward pass.
    new_h = jnp.take(this_level_h, idx, axis=0)
    return new_h

if __name__ == "__main__":
    import jax
    _d = setup_inputs()
    print(jax.jit(kernel)(*tuple(_d.values())))

</pallas_src>

<mosaic_0001>
#map = affine_map<(d0, d1) -> (0, 0)>
#map1 = affine_map<(d0, d1) -> (0)>
module attributes {stable_mosaic.version = 14 : i64} {
  func.func @gather_kernel(%arg0: i32, %arg1: i32, %arg2: memref<100000x128xf32, #tpu.memory_space<hbm>>, %arg3: memref<50000xi32, #tpu.memory_space<hbm>>, %arg4: memref<50000x128xf32, #tpu.memory_space<hbm>>, %arg5: memref<1568xi32, #tpu.memory_space<vmem>>, %arg6: memref<320x128xf32, #tpu.memory_space<vmem>>, %arg7: memref<320x128xf32, #tpu.memory_space<vmem>>, %arg8: memref<320x128xf32, #tpu.memory_space<vmem>>, %arg9: memref<!tpu.dma_semaphore, #tpu.memory_space<semaphore_mem>>, %arg10: memref<!tpu.dma_semaphore, #tpu.memory_space<semaphore_mem>>, %arg11: memref<!tpu.dma_semaphore, #tpu.memory_space<semaphore_mem>>, %arg12: memref<!tpu.dma_semaphore, #tpu.memory_space<semaphore_mem>>, %arg13: memref<!tpu.dma_semaphore, #tpu.memory_space<semaphore_mem>>, %arg14: memref<!tpu.dma_semaphore, #tpu.memory_space<semaphore_mem>>) attributes {dimension_semantics = [#tpu.dimension_semantics<core_parallel>, #tpu.dimension_semantics<subcore_parallel>], iteration_bounds = array<i64: 2, 16>, scalar_prefetch = 0 : i64, scratch_operands = 10 : i64, tpu.core_type = #tpu.core_type<sc_vector_subcore>, window_params = [{transform_indices = #map}, {transform_indices = #map1}, {transform_indices = #map}]} {
    %mul3A = arith.constant 16 : i32
    %mul3A_0 = arith.muli %arg0, %mul3A : i32
    %add3A = arith.addi %mul3A_0, %arg1 : i32
    %mul3A_1 = arith.constant 1568 : i32
    %mul3A_2 = arith.muli %add3A, %mul3A_1 : i32
    %min3A = arith.constant 48432 : i32
    %min3A_3 = arith.minsi %mul3A_2, %min3A : i32
    %multiple_of3A = tpu.assume_multiple %min3A_3, 8 : i32
    %add3A_4 = arith.constant 0 : i32
    %add3A_5 = arith.addi %multiple_of3A, %add3A_4 : i32
    %min3A_6 = arith.constant 49680 : i32
    %min3A_7 = arith.minsi %add3A_5, %min3A_6 : i32
    %multiple_of3A_8 = tpu.assume_multiple %min3A_7, 8 : i32
    %add3A_9 = arith.constant 320 : i32
    %add3A_10 = arith.addi %multiple_of3A, %add3A_9 : i32
    %min3A_11 = arith.constant 49680 : i32
    %min3A_12 = arith.minsi %add3A_10, %min3A_11 : i32
    %multiple_of3A_13 = tpu.assume_multiple %min3A_12, 8 : i32
    %add3A_14 = arith.constant 640 : i32
    %add3A_15 = arith.addi %multiple_of3A, %add3A_14 : i32
    %min3A_16 = arith.constant 49680 : i32
    %min3A_17 = arith.minsi %add3A_15, %min3A_16 : i32
    %multiple_of3A_18 = tpu.assume_multiple %min3A_17, 8 : i32
    %add3A_19 = arith.constant 960 : i32
    %add3A_20 = arith.addi %multiple_of3A, %add3A_19 : i32
    %min3A_21 = arith.constant 49680 : i32
    %min3A_22 = arith.minsi %add3A_20, %min3A_21 : i32
    %multiple_of3A_23 = tpu.assume_multiple %min3A_22, 8 : i32
    %add3A_24 = arith.constant 1280 : i32
    %add3A_25 = arith.addi %multiple_of3A, %add3A_24 : i32
    %min3A_26 = arith.constant 49744 : i32
    %min3A_27 = arith.minsi %add3A_25, %min3A_26 : i32
    %multiple_of3A_28 = tpu.assume_multiple %min3A_27, 8 : i32
    %add3A_29 = arith.constant 1536 : i32
    %add3A_30 = arith.addi %multiple_of3A, %add3A_29 : i32
    %min3A_31 = arith.constant 49968 : i32
    %min3A_32 = arith.minsi %add3A_30, %min3A_31 : i32
    %multiple_of3A_33 = tpu.assume_multiple %min3A_32, 8 : i32
    "tpu.region"() ({
      %run_scoped3A = tpu.sem_alloc : memref<!tpu.dma_semaphore, #tpu.memory_space<semaphore_mem>>
      %dma_start3A_249 = arith.constant 0 : i32
      %dma_start3A_250 = tpu.memref_slice %arg5[%dma_start3A_249] : memref<1568xi32, #tpu.memory_space<vmem>> -> memref<320xi32, #tpu.memory_space<vmem>>
      %dma_start3A_251 = tpu.memref_slice %arg3[%multiple_of3A] : memref<50000xi32, #tpu.memory_space<hbm>> -> memref<320xi32, #tpu.memory_space<hbm>>
      %dma_start3A_252 = arith.constant 0 : i32
      %dma_start3A_253 = tpu.memref_slice %arg5[%dma_start3A_252] : memref<1568xi32, #tpu.memory_space<vmem>> -> memref<320xi32, #tpu.memory_space<vmem>>
      %dma_start3A_254 = tpu.memref_slice %arg3[%multiple_of3A] : memref<50000xi32, #tpu.memory_space<hbm>> -> memref<320xi32, #tpu.memory_space<hbm>>
      tpu.enqueue_dma source(%dma_start3A_254 : memref<320xi32, #tpu.memory_space<hbm>>) target(%dma_start3A_253 : memref<320xi32, #tpu.memory_space<vmem>>) target_semaphore(%run_scoped3A : memref<!tpu.dma_semaphore, #tpu.memory_space<semaphore_mem>>)
      %dma_wait3A_255 = arith.constant 0 : i32
      %dma_wait3A_256 = tpu.memref_slice %arg5[%dma_wait3A_255] : memref<1568xi32, #tpu.memory_space<vmem>> -> memref<320xi32, #tpu.memory_space<vmem>>
      %dma_wait3A_257 = tpu.memref_slice %arg3[%multiple_of3A] : memref<50000xi32, #tpu.memory_space<hbm>> -> memref<320xi32, #tpu.memory_space<hbm>>
      %dma_wait3A_258 = arith.constant 0 : i32
      %dma_wait3A_259 = tpu.memref_slice %arg5[%dma_wait3A_258] : memref<1568xi32, #tpu.memory_space<vmem>> -> memref<320xi32, #tpu.memory_space<vmem>>
      %dma_wait3A_260 = tpu.memref_slice %arg3[%multiple_of3A] : memref<50000xi32, #tpu.memory_space<hbm>> -> memref<320xi32, #tpu.memory_space<hbm>>
      tpu.wait_dma2 semaphore(%run_scoped3A : memref<!tpu.dma_semaphore, #tpu.memory_space<semaphore_mem>>) src(%dma_wait3A_260 : memref<320xi32, #tpu.memory_space<hbm>>) dst(%dma_wait3A_259 : memref<320xi32, #tpu.memory_space<vmem>>)
      tpu.yield
    }) : () -> ()
    %sub3A = arith.subi %multiple_of3A_8, %multiple_of3A : i32
    %multiple_of3A_34 = tpu.assume_multiple %sub3A, 8 : i32
    %dma_start3A = arith.constant 0 : i32
    %dma_start3A_35 = arith.constant 0 : i32
    %dma_start3A_36 = tpu.memref_slice %arg6[%dma_start3A, %dma_start3A_35] : memref<320x128xf32, #tpu.memory_space<vmem>> -> memref<320x128xf32, #tpu.memory_space<vmem>>
    %dma_start3A_37 = tpu.memref_slice %arg5[%multiple_of3A_34] : memref<1568xi32, #tpu.memory_space<vmem>> -> memref<320xi32, #tpu.memory_space<vmem>>
    %dma_start3A_38 = arith.constant 0 : i32
    %dma_start3A_39 = arith.constant 0 : i32
    %dma_start3A_40 = tpu.memref_slice %arg2[%dma_start3A_38, %dma_start3A_39] : memref<100000x128xf32, #tpu.memory_space<hbm>> -> memref<100000x128xf32, #tpu.memory_space<hbm>>
    tpu.enqueue_indirect_dma source(%dma_start3A_40 : memref<100000x128xf32, #tpu.memory_space<hbm>>) target(%dma_start3A_36 : memref<320x128xf32, #tpu.memory_space<vmem>>) offsets(%dma_start3A_37 : memref<320xi32, #tpu.memory_space<vmem>>) semaphore(%arg9 : memref<!tpu.dma_semaphore, #tpu.memory_space<semaphore_mem>>)
    %add3A_41 = arith.constant 320 : i32
    %add3A_42 = arith.addi %multiple_of3A, %add3A_41 : i32
    "tpu.region"() ({
      %run_scoped3A = tpu.sem_alloc : memref<!tpu.dma_semaphore, #tpu.memory_space<semaphore_mem>>
      %dma_start3A_249 = arith.constant 320 : i32
      %dma_start3A_250 = tpu.memref_slice %arg5[%dma_start3A_249] : memref<1568xi32, #tpu.memory_space<vmem>> -> memref<1248xi32, #tpu.memory_space<vmem>>
      %dma_start3A_251 = tpu.memref_slice %arg3[%add3A_42] : memref<50000xi32, #tpu.memory_space<hbm>> -> memref<1248xi32, #tpu.memory_space<hbm>>
      %dma_start3A_252 = arith.constant 320 : i32
      %dma_start3A_253 = tpu.memref_slice %arg5[%dma_start3A_252] : memref<1568xi32, #tpu.memory_space<vmem>> -> memref<1248xi32, #tpu.memory_space<vmem>>
      %dma_start3A_254 = tpu.memref_slice %arg3[%add3A_42] : memref<50000xi32, #tpu.memory_space<hbm>> -> memref<1248xi32, #tpu.memory_space<hbm>>
      tpu.enqueue_dma source(%dma_start3A_254 : memref<1248xi32, #tpu.memory_space<hbm>>) target(%dma_start3A_253 : memref<1248xi32, #tpu.memory_space<vmem>>) target_semaphore(%run_scoped3A : memref<!tpu.dma_semaphore, #tpu.memory_space<semaphore_mem>>)
      %dma_wait3A_255 = arith.constant 320 : i32
      %dma_wait3A_256 = tpu.memref_slice %arg5[%dma_wait3A_255] : memref<1568xi32, #tpu.memory_space<vmem>> -> memref<1248xi32, #tpu.memory_space<vmem>>
      %dma_wait3A_257 = tpu.memref_slice %arg3[%add3A_42] : memref<50000xi32, #tpu.memory_space<hbm>> -> memref<1248xi32, #tpu.memory_space<hbm>>
      %dma_wait3A_258 = arith.constant 320 : i32
      %dma_wait3A_259 = tpu.memref_slice %arg5[%dma_wait3A_258] : memref<1568xi32, #tpu.memory_space<vmem>> -> memref<1248xi32, #tpu.memory_space<vmem>>
      %dma_wait3A_260 = tpu.memref_slice %arg3[%add3A_42] : memref<50000xi32, #tpu.memory_space<hbm>> -> memref<1248xi32, #tpu.memory_space<hbm>>
      tpu.wait_dma2 semaphore(%run_scoped3A : memref<!tpu.dma_semaphore, #tpu.memory_space<semaphore_mem>>) src(%dma_wait3A_260 : memref<1248xi32, #tpu.memory_space<hbm>>) dst(%dma_wait3A_259 : memref<1248xi32, #tpu.memory_space<vmem>>)
      tpu.yield
    }) : () -> ()
    %sub3A_43 = arith.subi %multiple_of3A_13, %multiple_of3A : i32
    %multiple_of3A_44 = tpu.assume_multiple %sub3A_43, 8 : i32
    %dma_start3A_45 = arith.constant 0 : i32
    %dma_start3A_46 = arith.constant 0 : i32
    %dma_start3A_47 = tpu.memref_slice %arg7[%dma_start3A_45, %dma_start3A_46] : memref<320x128xf32, #tpu.memory_space<vmem>> -> memref<320x128xf32, #tpu.memory_space<vmem>>
    %dma_start3A_48 = tpu.memref_slice %arg5[%multiple_of3A_44] : memref<1568xi32, #tpu.memory_space<vmem>> -> memref<320xi32, #tpu.memory_space<vmem>>
    %dma_start3A_49 = arith.constant 0 : i32
    %dma_start3A_50 = arith.constant 0 : i32
    %dma_start3A_51 = tpu.memref_slice %arg2[%dma_start3A_49, %dma_start3A_50] : memref<100000x128xf32, #tpu.memory_space<hbm>> -> memref<100000x128xf32, #tpu.memory_space<hbm>>
    tpu.enqueue_indirect_dma source(%dma_start3A_51 : memref<100000x128xf32, #tpu.memory_space<hbm>>) target(%dma_start3A_47 : memref<320x128xf32, #tpu.memory_space<vmem>>) offsets(%dma_start3A_48 : memref<320xi32, #tpu.memory_space<vmem>>) semaphore(%arg10 : memref<!tpu.dma_semaphore, #tpu.memory_space<semaphore_mem>>)
    %sub3A_52 = arith.subi %multiple_of3A_18, %multiple_of3A : i32
    %multiple_of3A_53 = tpu.assume_multiple %sub3A_52, 8 : i32
    %dma_start3A_54 = arith.constant 0 : i32
    %dma_start3A_55 = arith.constant 0 : i32
    %dma_start3A_56 = tpu.memref_slice %arg8[%dma_start3A_54, %dma_start3A_55] : memref<320x128xf32, #tpu.memory_space<vmem>> -> memref<320x128xf32, #tpu.memory_space<vmem>>
    %dma_start3A_57 = tpu.memref_slice %arg5[%multiple_of3A_53] : memref<1568xi32, #tpu.memory_space<vmem>> -> memref<320xi32, #tpu.memory_space<vmem>>
    %dma_start3A_58 = arith.constant 0 : i32
    %dma_start3A_59 = arith.constant 0 : i32
    %dma_start3A_60 = tpu.memref_slice %arg2[%dma_start3A_58, %dma_start3A_59] : memref<100000x128xf32, #tpu.memory_space<hbm>> -> memref<100000x128xf32, #tpu.memory_space<hbm>>
    tpu.enqueue_indirect_dma source(%dma_start3A_60 : memref<100000x128xf32, #tpu.memory_space<hbm>>) target(%dma_start3A_56 : memref<320x128xf32, #tpu.memory_space<vmem>>) offsets(%dma_start3A_57 : memref<320xi32, #tpu.memory_space<vmem>>) semaphore(%arg11 : memref<!tpu.dma_semaphore, #tpu.memory_space<semaphore_mem>>)
    %dma_wait3A = arith.constant 0 : i32
    %dma_wait3A_61 = arith.constant 0 : i32
    %dma_wait3A_62 = tpu.memref_slice %arg6[%dma_wait3A, %dma_wait3A_61] : memref<320x128xf32, #tpu.memory_space<vmem>> -> memref<320x128xf32, #tpu.memory_space<vmem>>
    %dma_wait3A_63 = tpu.memref_slice %arg5[%multiple_of3A_34] : memref<1568xi32, #tpu.memory_space<vmem>> -> memref<320xi32, #tpu.memory_space<vmem>>
    %dma_wait3A_64 = arith.constant 0 : i32
    %dma_wait3A_65 = arith.constant 0 : i32
    %dma_wait3A_66 = tpu.memref_slice %arg2[%dma_wait3A_64, %dma_wait3A_65] : memref<100000x128xf32, #tpu.memory_space<hbm>> -> memref<100000x128xf32, #tpu.memory_space<hbm>>
    tpu.wait_indirect_dma semaphore(%arg9 : memref<!tpu.dma_semaphore, #tpu.memory_space<semaphore_mem>>) src(%dma_wait3A_66 : memref<100000x128xf32, #tpu.memory_space<hbm>>) dst(%dma_wait3A_62 : memref<320x128xf32, #tpu.memory_space<vmem>>)
    %dma_start3A_67 = arith.constant 0 : i32
    %dma_start3A_68 = arith.constant 0 : i32
    %dma_start3A_69 = tpu.memref_slice %arg6[%dma_start3A_67, %dma_start3A_68] : memref<320x128xf32, #tpu.memory_space<vmem>> -> memref<320x128xf32, #tpu.memory_space<vmem>>
    %dma_start3A_70 = arith.constant 0 : i32
    %dma_start3A_71 = tpu.memref_slice %arg4[%multiple_of3A_8, %dma_start3A_70] : memref<50000x128xf32, #tpu.memory_space<hbm>> -> memref<320x128xf32, #tpu.memory_space<hbm>>
    %dma_start3A_72 = arith.constant 0 : i32
    %dma_start3A_73 = tpu.memref_slice %arg4[%multiple_of3A_8, %dma_start3A_72] : memref<50000x128xf32, #tpu.memory_space<hbm>> -> memref<320x128xf32, #tpu.memory_space<hbm>>
    %dma_start3A_74 = arith.constant 0 : i32
    %dma_start3A_75 = arith.constant 0 : i32
    %dma_start3A_76 = tpu.memref_slice %arg6[%dma_start3A_74, %dma_start3A_75] : memref<320x128xf32, #tpu.memory_space<vmem>> -> memref<320x128xf32, #tpu.memory_space<vmem>>
    tpu.enqueue_dma source(%dma_start3A_76 : memref<320x128xf32, #tpu.memory_space<vmem>>) target(%dma_start3A_73 : memref<320x128xf32, #tpu.memory_space<hbm>>) target_semaphore(%arg12 : memref<!tpu.dma_semaphore, #tpu.memory_space<semaphore_mem>>)
    %dma_wait3A_77 = arith.constant 0 : i32
    %dma_wait3A_78 = arith.constant 0 : i32
    %dma_wait3A_79 = tpu.memref_slice %arg6[%dma_wait3A_77, %dma_wait3A_78] : memref<320x128xf32, #tpu.memory_space<vmem>> -> memref<320x128xf32, #tpu.memory_space<vmem>>
    %dma_wait3A_80 = arith.constant 0 : i32
    %dma_wait3A_81 = tpu.memref_slice %arg4[%multiple_of3A_8, %dma_wait3A_80] : memref<50000x128xf32, #tpu.memory_space<hbm>> -> memref<320x128xf32, #tpu.memory_space<hbm>>
    %dma_wait3A_82 = arith.constant 0 : i32
    %dma_wait3A_83 = tpu.memref_slice %arg4[%multiple_of3A_8, %dma_wait3A_82] : memref<50000x128xf32, #tpu.memory_space<hbm>> -> memref<320x128xf32, #tpu.memory_space<hbm>>
    %dma_wait3A_84 = arith.constant 0 : i32
    %dma_wait3A_85 = arith.constant 0 : i32
    %dma_wait3A_86 = tpu.memref_slice %arg6[%dma_wait3A_84, %dma_wait3A_85] : memref<320x128xf32, #tpu.memory_space<vmem>> -> memref<320x128xf32, #tpu.memory_space<vmem>>
    tpu.wait_dma2 semaphore(%arg12 : memref<!tpu.dma_semaphore, #tpu.memory_space<semaphore_mem>>) src(%dma_wait3A_86 : memref<320x128xf32, #tpu.memory_space<vmem>>) dst(%dma_wait3A_83 : memref<320x128xf32, #tpu.memory_space<hbm>>)
    %sub3A_87 = arith.subi %multiple_of3A_23, %multiple_of3A : i32
    %multiple_of3A_88 = tpu.assume_multiple %sub3A_87, 8 : i32
    %dma_start3A_89 = arith.constant 0 : i32
    %dma_start3A_90 = arith.constant 0 : i32
    %dma_start3A_91 = tpu.memref_slice %arg6[%dma_start3A_89, %dma_start3A_90] : memref<320x128xf32, #tpu.memory_space<vmem>> -> memref<320x128xf32, #tpu.memory_space<vmem>>
    %dma_start3A_92 = tpu.memref_slice %arg5[%multiple_of3A_88] : memref<1568xi32, #tpu.memory_space<vmem>> -> memref<320xi32, #tpu.memory_space<vmem>>
    %dma_start3A_93 = arith.constant 0 : i32
    %dma_start3A_94 = arith.constant 0 : i32
    %dma_start3A_95 = tpu.memref_slice %arg2[%dma_start3A_93, %dma_start3A_94] : memref<100000x128xf32, #tpu.memory_space<hbm>> -> memref<100000x128xf32, #tpu.memory_space<hbm>>
    tpu.enqueue_indirect_dma source(%dma_start3A_95 : memref<100000x128xf32, #tpu.memory_space<hbm>>) target(%dma_start3A_91 : memref<320x128xf32, #tpu.memory_space<vmem>>) offsets(%dma_start3A_92 : memref<320xi32, #tpu.memory_space<vmem>>) semaphore(%arg9 : memref<!tpu.dma_semaphore, #tpu.memory_space<semaphore_mem>>)
    %dma_wait3A_96 = arith.constant 0 : i32
    %dma_wait3A_97 = arith.constant 0 : i32
    %dma_wait3A_98 = tpu.memref_slice %arg7[%dma_wait3A_96, %dma_wait3A_97] : memref<320x128xf32, #tpu.memory_space<vmem>> -> memref<320x128xf32, #tpu.memory_space<vmem>>
    %dma_wait3A_99 = tpu.memref_slice %arg5[%multiple_of3A_44] : memref<1568xi32, #tpu.memory_space<vmem>> -> memref<320xi32, #tpu.memory_space<vmem>>
    %dma_wait3A_100 = arith.constant 0 : i32
    %dma_wait3A_101 = arith.constant 0 : i32
    %dma_wait3A_102 = tpu.memref_slice %arg2[%dma_wait3A_100, %dma_wait3A_101] : memref<100000x128xf32, #tpu.memory_space<hbm>> -> memref<100000x128xf32, #tpu.memory_space<hbm>>
    tpu.wait_indirect_dma semaphore(%arg10 : memref<!tpu.dma_semaphore, #tpu.memory_space<semaphore_mem>>) src(%dma_wait3A_102 : memref<100000x128xf32, #tpu.memory_space<hbm>>) dst(%dma_wait3A_98 : memref<320x128xf32, #tpu.memory_space<vmem>>)
    %dma_start3A_103 = arith.constant 0 : i32
    %dma_start3A_104 = arith.constant 0 : i32
    %dma_start3A_105 = tpu.memref_slice %arg7[%dma_start3A_103, %dma_start3A_104] : memref<320x128xf32, #tpu.memory_space<vmem>> -> memref<320x128xf32, #tpu.memory_space<vmem>>
    %dma_start3A_106 = arith.constant 0 : i32
    %dma_start3A_107 = tpu.memref_slice %arg4[%multiple_of3A_13, %dma_start3A_106] : memref<50000x128xf32, #tpu.memory_space<hbm>> -> memref<320x128xf32, #tpu.memory_space<hbm>>
    %dma_start3A_108 = arith.constant 0 : i32
    %dma_start3A_109 = tpu.memref_slice %arg4[%multiple_of3A_13, %dma_start3A_108] : memref<50000x128xf32, #tpu.memory_space<hbm>> -> memref<320x128xf32, #tpu.memory_space<hbm>>
    %dma_start3A_110 = arith.constant 0 : i32
    %dma_start3A_111 = arith.constant 0 : i32
    %dma_start3A_112 = tpu.memref_slice %arg7[%dma_start3A_110, %dma_start3A_111] : memref<320x128xf32, #tpu.memory_space<vmem>> -> memref<320x128xf32, #tpu.memory_space<vmem>>
    tpu.enqueue_dma source(%dma_start3A_112 : memref<320x128xf32, #tpu.memory_space<vmem>>) target(%dma_start3A_109 : memref<320x128xf32, #tpu.memory_space<hbm>>) target_semaphore(%arg13 : memref<!tpu.dma_semaphore, #tpu.memory_space<semaphore_mem>>)
    %dma_wait3A_113 = arith.constant 0 : i32
    %dma_wait3A_114 = arith.constant 0 : i32
    %dma_wait3A_115 = tpu.memref_slice %arg7[%dma_wait3A_113, %dma_wait3A_114] : memref<320x128xf32, #tpu.memory_space<vmem>> -> memref<320x128xf32, #tpu.memory_space<vmem>>
    %dma_wait3A_116 = arith.constant 0 : i32
    %dma_wait3A_117 = tpu.memref_slice %arg4[%multiple_of3A_13, %dma_wait3A_116] : memref<50000x128xf32, #tpu.memory_space<hbm>> -> memref<320x128xf32, #tpu.memory_space<hbm>>
    %dma_wait3A_118 = arith.constant 0 : i32
    %dma_wait3A_119 = tpu.memref_slice %arg4[%multiple_of3A_13, %dma_wait3A_118] : memref<50000x128xf32, #tpu.memory_space<hbm>> -> memref<320x128xf32, #tpu.memory_space<hbm>>
    %dma_wait3A_120 = arith.constant 0 : i32
    %dma_wait3A_121 = arith.constant 0 : i32
    %dma_wait3A_122 = tpu.memref_slice %arg7[%dma_wait3A_120, %dma_wait3A_121] : memref<320x128xf32, #tpu.memory_space<vmem>> -> memref<320x128xf32, #tpu.memory_space<vmem>>
    tpu.wait_dma2 semaphore(%arg13 : memref<!tpu.dma_semaphore, #tpu.memory_space<semaphore_mem>>) src(%dma_wait3A_122 : memref<320x128xf32, #tpu.memory_space<vmem>>) dst(%dma_wait3A_119 : memref<320x128xf32, #tpu.memory_space<hbm>>)
    %sub3A_123 = arith.subi %multiple_of3A_28, %multiple_of3A : i32
    %multiple_of3A_124 = tpu.assume_multiple %sub3A_123, 8 : i32
    %dma_start3A_125 = arith.constant 0 : i32
    %dma_start3A_126 = arith.constant 0 : i32
    %dma_start3A_127 = tpu.memref_slice %arg7[%dma_start3A_125, %dma_start3A_126] : memref<320x128xf32, #tpu.memory_space<vmem>> -> memref<256x128xf32, #tpu.memory_space<vmem>>
    %dma_start3A_128 = tpu.memref_slice %arg5[%multiple_of3A_124] : memref<1568xi32, #tpu.memory_space<vmem>> -> memref<256xi32, #tpu.memory_space<vmem>>
    %dma_start3A_129 = arith.constant 0 : i32
    %dma_start3A_130 = arith.constant 0 : i32
    %dma_start3A_131 = tpu.memref_slice %arg2[%dma_start3A_129, %dma_start3A_130] : memref<100000x128xf32, #tpu.memory_space<hbm>> -> memref<100000x128xf32, #tpu.memory_space<hbm>>
    tpu.enqueue_indirect_dma source(%dma_start3A_131 : memref<100000x128xf32, #tpu.memory_space<hbm>>) target(%dma_start3A_127 : memref<256x128xf32, #tpu.memory_space<vmem>>) offsets(%dma_start3A_128 : memref<256xi32, #tpu.memory_space<vmem>>) semaphore(%arg10 : memref<!tpu.dma_semaphore, #tpu.memory_space<semaphore_mem>>)
    %dma_wait3A_132 = arith.constant 0 : i32
    %dma_wait3A_133 = arith.constant 0 : i32
    %dma_wait3A_134 = tpu.memref_slice %arg8[%dma_wait3A_132, %dma_wait3A_133] : memref<320x128xf32, #tpu.memory_space<vmem>> -> memref<320x128xf32, #tpu.memory_space<vmem>>
    %dma_wait3A_135 = tpu.memref_slice %arg5[%multiple_of3A_53] : memref<1568xi32, #tpu.memory_space<vmem>> -> memref<320xi32, #tpu.memory_space<vmem>>
    %dma_wait3A_136 = arith.constant 0 : i32
    %dma_wait3A_137 = arith.constant 0 : i32
    %dma_wait3A_138 = tpu.memref_slice %arg2[%dma_wait3A_136, %dma_wait3A_137] : memref<100000x128xf32, #tpu.memory_space<hbm>> -> memref<100000x128xf32, #tpu.memory_space<hbm>>
    tpu.wait_indirect_dma semaphore(%arg11 : memref<!tpu.dma_semaphore, #tpu.memory_space<semaphore_mem>>) src(%dma_wait3A_138 : memref<100000x128xf32, #tpu.memory_space<hbm>>) dst(%dma_wait3A_134 : memref<320x128xf32, #tpu.memory_space<vmem>>)
    %dma_start3A_139 = arith.constant 0 : i32
    %dma_start3A_140 = arith.constant 0 : i32
    %dma_start3A_141 = tpu.memref_slice %arg8[%dma_start3A_139, %dma_start3A_140] : memref<320x128xf32, #tpu.memory_space<vmem>> -> memref<320x128xf32, #tpu.memory_space<vmem>>
    %dma_start3A_142 = arith.constant 0 : i32
    %dma_start3A_143 = tpu.memref_slice %arg4[%multiple_of3A_18, %dma_start3A_142] : memref<50000x128xf32, #tpu.memory_space<hbm>> -> memref<320x128xf32, #tpu.memory_space<hbm>>
    %dma_start3A_144 = arith.constant 0 : i32
    %dma_start3A_145 = tpu.memref_slice %arg4[%multiple_of3A_18, %dma_start3A_144] : memref<50000x128xf32, #tpu.memory_space<hbm>> -> memref<320x128xf32, #tpu.memory_space<hbm>>
    %dma_start3A_146 = arith.constant 0 : i32
    %dma_start3A_147 = arith.constant 0 : i32
    %dma_start3A_148 = tpu.memref_slice %arg8[%dma_start3A_146, %dma_start3A_147] : memref<320x128xf32, #tpu.memory_space<vmem>> -> memref<320x128xf32, #tpu.memory_space<vmem>>
    tpu.enqueue_dma source(%dma_start3A_148 : memref<320x128xf32, #tpu.memory_space<vmem>>) target(%dma_start3A_145 : memref<320x128xf32, #tpu.memory_space<hbm>>) target_semaphore(%arg14 : memref<!tpu.dma_semaphore, #tpu.memory_space<semaphore_mem>>)
    %dma_wait3A_149 = arith.constant 0 : i32
    %dma_wait3A_150 = arith.constant 0 : i32
    %dma_wait3A_151 = tpu.memref_slice %arg8[%dma_wait3A_149, %dma_wait3A_150] : memref<320x128xf32, #tpu.memory_space<vmem>> -> memref<320x128xf32, #tpu.memory_space<vmem>>
    %dma_wait3A_152 = arith.constant 0 : i32
    %dma_wait3A_153 = tpu.memref_slice %arg4[%multiple_of3A_18, %dma_wait3A_152] : memref<50000x128xf32, #tpu.memory_space<hbm>> -> memref<320x128xf32, #tpu.memory_space<hbm>>
    %dma_wait3A_154 = arith.constant 0 : i32
    %dma_wait3A_155 = tpu.memref_slice %arg4[%multiple_of3A_18, %dma_wait3A_154] : memref<50000x128xf32, #tpu.memory_space<hbm>> -> memref<320x128xf32, #tpu.memory_space<hbm>>
    %dma_wait3A_156 = arith.constant 0 : i32
    %dma_wait3A_157 = arith.constant 0 : i32
    %dma_wait3A_158 = tpu.memref_slice %arg8[%dma_wait3A_156, %dma_wait3A_157] : memref<320x128xf32, #tpu.memory_space<vmem>> -> memref<320x128xf32, #tpu.memory_space<vmem>>
    tpu.wait_dma2 semaphore(%arg14 : memref<!tpu.dma_semaphore, #tpu.memory_space<semaphore_mem>>) src(%dma_wait3A_158 : memref<320x128xf32, #tpu.memory_space<vmem>>) dst(%dma_wait3A_155 : memref<320x128xf32, #tpu.memory_space<hbm>>)
    %sub3A_159 = arith.subi %multiple_of3A_33, %multiple_of3A : i32
    %multiple_of3A_160 = tpu.assume_multiple %sub3A_159, 8 : i32
    %dma_start3A_161 = arith.constant 0 : i32
    %dma_start3A_162 = arith.constant 0 : i32
    %dma_start3A_163 = tpu.memref_slice %arg8[%dma_start3A_161, %dma_start3A_162] : memref<320x128xf32, #tpu.memory_space<vmem>> -> memref<32x128xf32, #tpu.memory_space<vmem>>
    %dma_start3A_164 = tpu.memref_slice %arg5[%multiple_of3A_160] : memref<1568xi32, #tpu.memory_space<vmem>> -> memref<32xi32, #tpu.memory_space<vmem>>
    %dma_start3A_165 = arith.constant 0 : i32
    %dma_start3A_166 = arith.constant 0 : i32
    %dma_start3A_167 = tpu.memref_slice %arg2[%dma_start3A_165, %dma_start3A_166] : memref<100000x128xf32, #tpu.memory_space<hbm>> -> memref<100000x128xf32, #tpu.memory_space<hbm>>
    tpu.enqueue_indirect_dma source(%dma_start3A_167 : memref<100000x128xf32, #tpu.memory_space<hbm>>) target(%dma_start3A_163 : memref<32x128xf32, #tpu.memory_space<vmem>>) offsets(%dma_start3A_164 : memref<32xi32, #tpu.memory_space<vmem>>) semaphore(%arg11 : memref<!tpu.dma_semaphore, #tpu.memory_space<semaphore_mem>>)
    %dma_wait3A_168 = arith.constant 0 : i32
    %dma_wait3A_169 = arith.constant 0 : i32
    %dma_wait3A_170 = tpu.memref_slice %arg6[%dma_wait3A_168, %dma_wait3A_169] : memref<320x128xf32, #tpu.memory_space<vmem>> -> memref<320x128xf32, #tpu.memory_space<vmem>>
    %dma_wait3A_171 = tpu.memref_slice %arg5[%multiple_of3A_88] : memref<1568xi32, #tpu.memory_space<vmem>> -> memref<320xi32, #tpu.memory_space<vmem>>
    %dma_wait3A_172 = arith.constant 0 : i32
    %dma_wait3A_173 = arith.constant 0 : i32
    %dma_wait3A_174 = tpu.memref_slice %arg2[%dma_wait3A_172, %dma_wait3A_173] : memref<100000x128xf32, #tpu.memory_space<hbm>> -> memref<100000x128xf32, #tpu.memory_space<hbm>>
    tpu.wait_indirect_dma semaphore(%arg9 : memref<!tpu.dma_semaphore, #tpu.memory_space<semaphore_mem>>) src(%dma_wait3A_174 : memref<100000x128xf32, #tpu.memory_space<hbm>>) dst(%dma_wait3A_170 : memref<320x128xf32, #tpu.memory_space<vmem>>)
    %dma_start3A_175 = arith.constant 0 : i32
    %dma_start3A_176 = arith.constant 0 : i32
    %dma_start3A_177 = tpu.memref_slice %arg6[%dma_start3A_175, %dma_start3A_176] : memref<320x128xf32, #tpu.memory_space<vmem>> -> memref<320x128xf32, #tpu.memory_space<vmem>>
    %dma_start3A_178 = arith.constant 0 : i32
    %dma_start3A_179 = tpu.memref_slice %arg4[%multiple_of3A_23, %dma_start3A_178] : memref<50000x128xf32, #tpu.memory_space<hbm>> -> memref<320x128xf32, #tpu.memory_space<hbm>>
    %dma_start3A_180 = arith.constant 0 : i32
    %dma_start3A_181 = tpu.memref_slice %arg4[%multiple_of3A_23, %dma_start3A_180] : memref<50000x128xf32, #tpu.memory_space<hbm>> -> memref<320x128xf32, #tpu.memory_space<hbm>>
    %dma_start3A_182 = arith.constant 0 : i32
    %dma_start3A_183 = arith.constant 0 : i32
    %dma_start3A_184 = tpu.memref_slice %arg6[%dma_start3A_182, %dma_start3A_183] : memref<320x128xf32, #tpu.memory_space<vmem>> -> memref<320x128xf32, #tpu.memory_space<vmem>>
    tpu.enqueue_dma source(%dma_start3A_184 : memref<320x128xf32, #tpu.memory_space<vmem>>) target(%dma_start3A_181 : memref<320x128xf32, #tpu.memory_space<hbm>>) target_semaphore(%arg12 : memref<!tpu.dma_semaphore, #tpu.memory_space<semaphore_mem>>)
    %dma_wait3A_185 = arith.constant 0 : i32
    %dma_wait3A_186 = arith.constant 0 : i32
    %dma_wait3A_187 = tpu.memref_slice %arg7[%dma_wait3A_185, %dma_wait3A_186] : memref<320x128xf32, #tpu.memory_space<vmem>> -> memref<256x128xf32, #tpu.memory_space<vmem>>
    %dma_wait3A_188 = tpu.memref_slice %arg5[%multiple_of3A_124] : memref<1568xi32, #tpu.memory_space<vmem>> -> memref<256xi32, #tpu.memory_space<vmem>>
    %dma_wait3A_189 = arith.constant 0 : i32
    %dma_wait3A_190 = arith.constant 0 : i32
    %dma_wait3A_191 = tpu.memref_slice %arg2[%dma_wait3A_189, %dma_wait3A_190] : memref<100000x128xf32, #tpu.memory_space<hbm>> -> memref<100000x128xf32, #tpu.memory_space<hbm>>
    tpu.wait_indirect_dma semaphore(%arg10 : memref<!tpu.dma_semaphore, #tpu.memory_space<semaphore_mem>>) src(%dma_wait3A_191 : memref<100000x128xf32, #tpu.memory_space<hbm>>) dst(%dma_wait3A_187 : memref<256x128xf32, #tpu.memory_space<vmem>>)
    %dma_start3A_192 = arith.constant 0 : i32
    %dma_start3A_193 = arith.constant 0 : i32
    %dma_start3A_194 = tpu.memref_slice %arg7[%dma_start3A_192, %dma_start3A_193] : memref<320x128xf32, #tpu.memory_space<vmem>> -> memref<256x128xf32, #tpu.memory_space<vmem>>
    %dma_start3A_195 = arith.constant 0 : i32
    %dma_start3A_196 = tpu.memref_slice %arg4[%multiple_of3A_28, %dma_start3A_195] : memref<50000x128xf32, #tpu.memory_space<hbm>> -> memref<256x128xf32, #tpu.memory_space<hbm>>
    %dma_start3A_197 = arith.constant 0 : i32
    %dma_start3A_198 = tpu.memref_slice %arg4[%multiple_of3A_28, %dma_start3A_197] : memref<50000x128xf32, #tpu.memory_space<hbm>> -> memref<256x128xf32, #tpu.memory_space<hbm>>
    %dma_start3A_199 = arith.constant 0 : i32
    %dma_start3A_200 = arith.constant 0 : i32
    %dma_start3A_201 = tpu.memref_slice %arg7[%dma_start3A_199, %dma_start3A_200] : memref<320x128xf32, #tpu.memory_space<vmem>> -> memref<256x128xf32, #tpu.memory_space<vmem>>
    tpu.enqueue_dma source(%dma_start3A_201 : memref<256x128xf32, #tpu.memory_space<vmem>>) target(%dma_start3A_198 : memref<256x128xf32, #tpu.memory_space<hbm>>) target_semaphore(%arg13 : memref<!tpu.dma_semaphore, #tpu.memory_space<semaphore_mem>>)
    %dma_wait3A_202 = arith.constant 0 : i32
    %dma_wait3A_203 = arith.constant 0 : i32
    %dma_wait3A_204 = tpu.memref_slice %arg8[%dma_wait3A_202, %dma_wait3A_203] : memref<320x128xf32, #tpu.memory_space<vmem>> -> memref<32x128xf32, #tpu.memory_space<vmem>>
    %dma_wait3A_205 = tpu.memref_slice %arg5[%multiple_of3A_160] : memref<1568xi32, #tpu.memory_space<vmem>> -> memref<32xi32, #tpu.memory_space<vmem>>
    %dma_wait3A_206 = arith.constant 0 : i32
    %dma_wait3A_207 = arith.constant 0 : i32
    %dma_wait3A_208 = tpu.memref_slice %arg2[%dma_wait3A_206, %dma_wait3A_207] : memref<100000x128xf32, #tpu.memory_space<hbm>> -> memref<100000x128xf32, #tpu.memory_space<hbm>>
    tpu.wait_indirect_dma semaphore(%arg11 : memref<!tpu.dma_semaphore, #tpu.memory_space<semaphore_mem>>) src(%dma_wait3A_208 : memref<100000x128xf32, #tpu.memory_space<hbm>>) dst(%dma_wait3A_204 : memref<32x128xf32, #tpu.memory_space<vmem>>)
    %dma_start3A_209 = arith.constant 0 : i32
    %dma_start3A_210 = arith.constant 0 : i32
    %dma_start3A_211 = tpu.memref_slice %arg8[%dma_start3A_209, %dma_start3A_210] : memref<320x128xf32, #tpu.memory_space<vmem>> -> memref<32x128xf32, #tpu.memory_space<vmem>>
    %dma_start3A_212 = arith.constant 0 : i32
    %dma_start3A_213 = tpu.memref_slice %arg4[%multiple_of3A_33, %dma_start3A_212] : memref<50000x128xf32, #tpu.memory_space<hbm>> -> memref<32x128xf32, #tpu.memory_space<hbm>>
    %dma_start3A_214 = arith.constant 0 : i32
    %dma_start3A_215 = tpu.memref_slice %arg4[%multiple_of3A_33, %dma_start3A_214] : memref<50000x128xf32, #tpu.memory_space<hbm>> -> memref<32x128xf32, #tpu.memory_space<hbm>>
    %dma_start3A_216 = arith.constant 0 : i32
    %dma_start3A_217 = arith.constant 0 : i32
    %dma_start3A_218 = tpu.memref_slice %arg8[%dma_start3A_216, %dma_start3A_217] : memref<320x128xf32, #tpu.memory_space<vmem>> -> memref<32x128xf32, #tpu.memory_space<vmem>>
    tpu.enqueue_dma source(%dma_start3A_218 : memref<32x128xf32, #tpu.memory_space<vmem>>) target(%dma_start3A_215 : memref<32x128xf32, #tpu.memory_space<hbm>>) target_semaphore(%arg14 : memref<!tpu.dma_semaphore, #tpu.memory_space<semaphore_mem>>)
    %dma_wait3A_219 = arith.constant 0 : i32
    %dma_wait3A_220 = arith.constant 0 : i32
    %dma_wait3A_221 = tpu.memref_slice %arg6[%dma_wait3A_219, %dma_wait3A_220] : memref<320x128xf32, #tpu.memory_space<vmem>> -> memref<320x128xf32, #tpu.memory_space<vmem>>
    %dma_wait3A_222 = arith.constant 0 : i32
    %dma_wait3A_223 = tpu.memref_slice %arg4[%multiple_of3A_23, %dma_wait3A_222] : memref<50000x128xf32, #tpu.memory_space<hbm>> -> memref<320x128xf32, #tpu.memory_space<hbm>>
    %dma_wait3A_224 = arith.constant 0 : i32
    %dma_wait3A_225 = tpu.memref_slice %arg4[%multiple_of3A_23, %dma_wait3A_224] : memref<50000x128xf32, #tpu.memory_space<hbm>> -> memref<320x128xf32, #tpu.memory_space<hbm>>
    %dma_wait3A_226 = arith.constant 0 : i32
    %dma_wait3A_227 = arith.constant 0 : i32
    %dma_wait3A_228 = tpu.memref_slice %arg6[%dma_wait3A_226, %dma_wait3A_227] : memref<320x128xf32, #tpu.memory_space<vmem>> -> memref<320x128xf32, #tpu.memory_space<vmem>>
    tpu.wait_dma2 semaphore(%arg12 : memref<!tpu.dma_semaphore, #tpu.memory_space<semaphore_mem>>) src(%dma_wait3A_228 : memref<320x128xf32, #tpu.memory_space<vmem>>) dst(%dma_wait3A_225 : memref<320x128xf32, #tpu.memory_space<hbm>>)
    %dma_wait3A_229 = arith.constant 0 : i32
    %dma_wait3A_230 = arith.constant 0 : i32
    %dma_wait3A_231 = tpu.memref_slice %arg7[%dma_wait3A_229, %dma_wait3A_230] : memref<320x128xf32, #tpu.memory_space<vmem>> -> memref<256x128xf32, #tpu.memory_space<vmem>>
    %dma_wait3A_232 = arith.constant 0 : i32
    %dma_wait3A_233 = tpu.memref_slice %arg4[%multiple_of3A_28, %dma_wait3A_232] : memref<50000x128xf32, #tpu.memory_space<hbm>> -> memref<256x128xf32, #tpu.memory_space<hbm>>
    %dma_wait3A_234 = arith.constant 0 : i32
    %dma_wait3A_235 = tpu.memref_slice %arg4[%multiple_of3A_28, %dma_wait3A_234] : memref<50000x128xf32, #tpu.memory_space<hbm>> -> memref<256x128xf32, #tpu.memory_space<hbm>>
    %dma_wait3A_236 = arith.constant 0 : i32
    %dma_wait3A_237 = arith.constant 0 : i32
    %dma_wait3A_238 = tpu.memref_slice %arg7[%dma_wait3A_236, %dma_wait3A_237] : memref<320x128xf32, #tpu.memory_space<vmem>> -> memref<256x128xf32, #tpu.memory_space<vmem>>
    tpu.wait_dma2 semaphore(%arg13 : memref<!tpu.dma_semaphore, #tpu.memory_space<semaphore_mem>>) src(%dma_wait3A_238 : memref<256x128xf32, #tpu.memory_space<vmem>>) dst(%dma_wait3A_235 : memref<256x128xf32, #tpu.memory_space<hbm>>)
    %dma_wait3A_239 = arith.constant 0 : i32
    %dma_wait3A_240 = arith.constant 0 : i32
    %dma_wait3A_241 = tpu.memref_slice %arg8[%dma_wait3A_239, %dma_wait3A_240] : memref<320x128xf32, #tpu.memory_space<vmem>> -> memref<32x128xf32, #tpu.memory_space<vmem>>
    %dma_wait3A_242 = arith.constant 0 : i32
    %dma_wait3A_243 = tpu.memref_slice %arg4[%multiple_of3A_33, %dma_wait3A_242] : memref<50000x128xf32, #tpu.memory_space<hbm>> -> memref<32x128xf32, #tpu.memory_space<hbm>>
    %dma_wait3A_244 = arith.constant 0 : i32
    %dma_wait3A_245 = tpu.memref_slice %arg4[%multiple_of3A_33, %dma_wait3A_244] : memref<50000x128xf32, #tpu.memory_space<hbm>> -> memref<32x128xf32, #tpu.memory_space<hbm>>
    %dma_wait3A_246 = arith.constant 0 : i32
    %dma_wait3A_247 = arith.constant 0 : i32
    %dma_wait3A_248 = tpu.memref_slice %arg8[%dma_wait3A_246, %dma_wait3A_247] : memref<320x128xf32, #tpu.memory_space<vmem>> -> memref<32x128xf32, #tpu.memory_space<vmem>>
    tpu.wait_dma2 semaphore(%arg14 : memref<!tpu.dma_semaphore, #tpu.memory_space<semaphore_mem>>) src(%dma_wait3A_248 : memref<32x128xf32, #tpu.memory_space<vmem>>) dst(%dma_wait3A_245 : memref<32x128xf32, #tpu.memory_space<hbm>>)
    return
  }
}

</mosaic_0001>

<sc_bundles>
// kernel: _sc_gather.3.cloned.1.call-start
scs
__scs_entry_jumppad:
0x0: {  	(pc) =	sbr.rel $0x88, $3  }
0x1: {  	(tag) =	ssettag $0x0;
	lr =	simm.s32 $0x1  }
0x2: {  	[smem:$0x3F9F] =	sst lr;
	_ =	strace $0xD0000000  }
0x3: {  	_ = 	snop  }
0x4: {  	_ = 	snop  }
0x5: {  	_ = 	snop  }
0x6: {  	_ = 	snop  }
0x7: {  	_ = 	snop  }
__scs_overlays_trampoline_lowered:
0x8: {  	[smem:$0x3FAE] =	sst s0  }
0x9: {  	[smem:$0x3FAF] =	sst s1  }
0xa: {  	[smem:$0x3FB0] =	sst s2  }
0xb: {  	[smem:$0x3FB1] =	sst s3  }
0xc: {  	[smem:$0x3FB2] =	sst s4  }
0xd: {  	[smem:$0x3FB3] =	sst s5  }
0xe: {  	[smem:$0x3FB4] =	sst s6  }
0xf: {  	[smem:$0x3FB5] =	sst s7  }
0x10: {  	[smem:$0x3FB6] =	sst s8  }
0x11: {  	[smem:$0x3FB7] =	sst s9;
	s0 =	simm.s32 @!p0 $0x0  }
0x12: {  	s1 =	sld [smem:$0x3F9D];
	s0 =	simm.s32 @p0 $0x1  }
0x13: {  	[smem:$0x3FB8] =	sst s0;
	s0 =	simm.s32 @!p1 $0x0  }
0x14: {  	s2 =	sld [smem:$0x3F9C];
	s0 =	simm.s32 @p1 $0x1  }
0x15: {  	[smem:$0x3FB9] =	sst s0;
	s0 =	simm.s32 @!p2 $0x0  }
0x16: {  	s3 =	sld [smem:$0x3FDB];
	s0 =	simm.s32 @p2 $0x1  }
0x17: {  	s4 =	simm.s32 $0x1BF5;
	[smem:$0x3FBB] =	sst s0  }
0x18: {  	s0 =	sld [smem:$0x3F9E];
	_ =	swait.ge [sflag:s4], $0x0  }
0x19: {  	s7 =	sld [smem:$0x3F9F]  }
0x1a: {  	s8 =	sadd.s32 $0xFFFFE003, lr  }
0x1b: {  	s9 =	sadd.s32 $0xFFFFFEF7, lr;
	s5 =	simm.s32 $0xFFFFFFFF;
	p2 =	slt.u32 s8, $0xFFFFF086  }
0x1c: {  	p1 =	slt.u32 s9, $0xF7A;
	s5 =	simm.s32 @!p2 $0x0  }
0x1d: {  	s5 =	simm.s32 @p1 $0x1;
	p0 =	seq.s32 s7, s2  }
0x1e: {  	s7 =	smul.u32 @!p0 $0xF7A, s2;
	p2 =	seq.s32 @!p0 s5, $0x0  }
0x1f: {  	s9 =	smul.u32 $0xF7A, s1;
	s8 =	simm.s32 @!p0 $0x1BF5;
	p2 =	por !p2, p0  }
0x20: {  	[sflag:s8] =	ssyncset.s32 @!p0 $0xFFFFF086;
	s6 =	sadd.s32 @!p0 s3, s7;
	s7 =	simm.s32 @!p0 $0x108  }
0x21: {  	s3 =	sadd.s32 s3, s9;
	s6 =	sadd.s32 @!p0 $0x88, s6;
	s7 =	simm.s32 @p2 $0x1082  }
0x22: {  	[simem:s7], [sflag:s8] =	dma.local @!p0 [hbm:s6], $0xF7A  }
0x23: {  	s9 =	sor.u32 $0xD0000000, s2;
	s6 =	simm.s32 $0x108;
	_ =	swait.ge @!p0 [sflag:s8], $0x0  }
0x24: {  	s3 =	sadd.s32 $0x88, s3;
	s6 =	simm.s32 @!p1 $0x1082;
	[sflag:s4] =	ssyncset.s32 $0xFFFFF086  }
0x25: {  	[simem:s6], [sflag:s4] =	dma.local [hbm:s3], $0xF7A  }
0x26: {  	[smem:$0x3F9F] =	sst s1;
	(tag) =	ssettag s2;
	_ =	strace s9  }
0x27: {  	s1 =	sld [smem:$0x3FAF]  }
0x28: {  	s2 =	sld [smem:$0x3FB0]  }
0x29: {  	s4 =	sld [smem:$0x3FB2]  }
0x2a: {  	p0 =	seq.s32 s5, $0x0;
	s5 =	sld [smem:$0x3FB3]  }
0x2b: {  	s6 =	sld [smem:$0x3FB4]  }
0x2c: {  	s7 =	sld [smem:$0x3FB5]  }
0x2d: {  	s3 =	simm.s32 $0x108;
	s8 =	sld [smem:$0x3FB6]  }
0x2e: {  	s3 =	simm.s32 @!p0 $0x1082;
	s9 =	sld [smem:$0x3FB7]  }
0x2f: {  	lr =	sadd.s32 s0, s3;
	s0 =	sld [smem:$0x3FAE]  }
0x30: {  	s3 =	sld [smem:$0x3FB1]  }
0x31: {  	[smem:$0x3FBA] =	sst s10  }
0x32: {  	s10 =	sld [smem:$0x3FB8];
	_ =	sdelay $0x3  }
0x33: {  	p0 =	seq.s32 s10, $0x1;
	s10 =	sld [smem:$0x3FBA];
	_ =	sdelay $0x3  }
0x34: {  	[smem:$0x3FBA] =	sst s10  }
0x35: {  	s10 =	sld [smem:$0x3FB9];
	_ =	sdelay $0x3  }
0x36: {  	p1 =	seq.s32 s10, $0x1;
	s10 =	sld [smem:$0x3FBA];
	_ =	sdelay $0x3  }
0x37: {  	[smem:$0x3FBA] =	sst s10  }
0x38: {  	s10 =	sld [smem:$0x3FBB]  }
0x39: {  	_ = 	snop;
	(pc) =	sbr.ind lr, $3  }
0x3a: {  	_ = 	snop  }
0x3b: {  	_ = 	snop  }
0x3c: {  	p2 =	seq.s32 s10, $0x1;
	s10 =	sld [smem:$0x3FBA]  }
0x3d: {  	_ =	shalt  }
0x3e: {  	_ =	shalt  }
0x3f: {  	_ =	shalt  }
0x40: {  	_ =	shalt  }
0x41: {  	_ =	shalt  }
0x42: {  	_ =	shalt  }
0x43: {  	_ =	shalt  }
0x44: {  	_ =	shalt  }
0x45: {  	_ =	shalt  }
0x46: {  	_ =	shalt  }
0x47: {  	_ =	shalt  }
0x48: {  	_ =	shalt  }
0x49: {  	_ =	shalt  }
0x4a: {  	_ =	shalt  }
0x4b: {  	_ =	shalt  }
0x4c: {  	_ =	shalt  }
0x4d: {  	_ =	shalt  }
0x4e: {  	_ =	shalt  }
0x4f: {  	_ =	shalt  }
0x50: {  	_ =	shalt  }
0x51: {  	_ =	shalt  }
0x52: {  	_ =	shalt  }
0x53: {  	_ =	shalt  }
0x54: {  	_ =	shalt  }
0x55: {  	_ =	shalt  }
0x56: {  	_ =	shalt  }
0x57: {  	_ =	shalt  }
0x58: {  	_ =	shalt  }
0x59: {  	_ =	shalt  }
0x5a: {  	_ =	shalt  }
0x5b: {  	_ =	shalt  }
0x5c: {  	_ =	shalt  }
0x5d: {  	_ =	shalt  }
0x5e: {  	_ =	shalt  }
0x5f: {  	_ =	shalt  }
0x60: {  	_ =	shalt  }
0x61: {  	_ =	shalt  }
0x62: {  	_ =	shalt  }
0x63: {  	_ =	shalt  }
0x64: {  	_ =	shalt  }
0x65: {  	_ =	shalt  }
0x66: {  	_ =	shalt  }
0x67: {  	_ =	shalt  }
0x68: {  	_ =	shalt  }
0x69: {  	_ =	shalt  }
0x6a: {  	_ =	shalt  }
0x6b: {  	_ =	shalt  }
0x6c: {  	_ =	shalt  }
0x6d: {  	_ =	shalt  }
0x6e: {  	_ =	shalt  }
0x6f: {  	_ =	shalt  }
0x70: {  	_ =	shalt  }
0x71: {  	_ =	shalt  }
0x72: {  	_ =	shalt  }
0x73: {  	_ =	shalt  }
0x74: {  	_ =	shalt  }
0x75: {  	_ =	shalt  }
0x76: {  	_ =	shalt  }
0x77: {  	_ =	shalt  }
0x78: {  	_ =	shalt  }
0x79: {  	_ =	shalt  }
0x7a: {  	_ =	shalt  }
0x7b: {  	_ =	shalt  }
0x7c: {  	_ =	shalt  }
0x7d: {  	_ =	shalt  }
0x7e: {  	_ =	shalt  }
0x7f: {  	_ =	shalt  }
0x80: {  	_ =	shalt  }
0x81: {  	_ =	shalt  }
0x82: {  	_ =	shalt  }
0x83: {  	_ =	shalt  }
0x84: {  	_ =	shalt  }
0x85: {  	_ =	shalt  }
0x86: {  	_ =	shalt  }
0x87: {  	_ =	shalt  }
.Lfunc_end0:
.L_simem_size_0:
called_computation_lowered:
.L_overlay_start_0:
0x88: {  	s2 =	sld [smem:$0x3FD9]  }
0x89: {  	s3 =	sld [smem:$0x3FFE];
	_ =	sdelay $0x1  }
0x8a: {  	s1 =	srdreg.scid  }
0x8b: {  	s0 =	sand.u32 $0x1, s1  }
0x8c: {  	s18 =	sshll.u32 s0, $0xA;
	s2 =	sadd.s32 s3, s2  }
0x8d: {  	s2 =	sadd.s32 s2, s18  }
0x8e: {  	[smem:$0x3FC6] =	sst s2  }
0x8f: {  	_ = 	snop  }
0x90: {  	s2 =	sld [smem:$0x3FC9]  }
0x91: {  	s19 =	sld [smem:$0x3FC8]  }
0x92: {  	s4 =	sld [smem:$0x3FD0];
	(tm) =	ssettm $0x1  }
0x93: {  	s5 =	sld [smem:$0x3FFB];
	_ =	sdelay $0x3  }
0x94: {  	_ =	strace s5  }
0x95: {  	s5 =	sld [smem:$0x3FFC];
	_ =	sdelay $0x3  }
0x96: {  	_ =	strace s5  }
0x97: {  	s5 =	sld [smem:$0x3FFD];
	_ =	sdelay $0x3  }
0x98: {  	_ =	strace s5  }
0x99: {  	_ =	strace $0x8FFFFFFF  }
0x9a: {  	s20 =	sld [smem:$0x3FDB];
	_ =	sdelay $0x1  }
0x9b: {  	s6 =	simm.s32 $_scs_section_size  }
0x9c: {  	s7 =	simm.s32 $_size__tile_overlayer_lowered;
	s8 =	simm.s32 $_tile_overlayer_lowered  }
0x9d: {  	s23 =	simm.s32 $0x1BFF;
	s22 =	sshll.u32 s8, $0x1;
	s5 =	sadd.s32 s6, s20  }
0x9e: {  	s9 =	simm.s32 $0x0;
	s21 =	sshll.u32 s7, $0x1;
	s7 =	sadd.s32 s22, s5  }
0x9f: {  	[timem:s9], [sflag:s23] =	dma.local [hbm:s7], s21  }
0xa0: {  	_ =	swait.ge [sflag:s23], s21  }
0xa1: {  	s6 =	ssub.s32 $0x0, s21;
	[sflag:s23] =	ssyncset.done $0x0  }
0xa2: {  	[sflag:s23] =	ssyncadd.s32 s6;
	_ =	sdelay $0x1  }
0xa3: {  	s24 =	simm.s32 $0x1B8B  }
0xa4: {  	_ =	swait.ge [sflag:s24], $0x1  }
0xa5: {  	[sflag:s24] =	ssyncset.done $0x0  }
0xa6: {  	s25 =	simm.s32 $0x1B8E;
	[sflag:s24] =	ssyncadd.s32 $0xFFFFFFFF  }
0xa7: {  	s26 =	simm.s32 $execute0_lowered;
	[smem:$0x3FD2] =	sst s25  }
0xa8: {  	s6 =	sshll.u32 s26, $0x1;
	_ =	strace $0x80000046;
	[dreg:$0x1] =	wrdreg $0xFFFFFFFF  }
0xa9: {  	s28 =	simm.s32 $_size_execute0_lowered;
	s5 =	sadd.s32 s5, s6;
	[dreg:$0x0] =	wrdreg $0x0  }
0xaa: {  	s6 =	sshll.u32 s28, $0x1;
	[dreg:$0x2] =	wrdreg s5  }
0xab: {  	[dreg:$0x3] =	wrdreg s6  }
0xac: {  	[dreg:$0x4] =	wrdreg $0xC0  }
0xad: {  	_ =	task [dreg:s9], $0x5FFFF  }
0xae: {  	[dreg:$0x1] =	wrdreg $0xFFFFFFFF  }
0xaf: {  	[dreg:$0x0] =	wrdreg $0x60  }
0xb0: {  	[dreg:$0x2] =	wrdreg s2  }
0xb1: {  	[dreg:$0x3] =	wrdreg s19  }
0xb2: {  	[dreg:$0x4] =	wrdreg s4  }
0xb3: {  	[dreg:$0x5] =	wrdreg $0x9  }
0xb4: {  	_ =	task.clear_ibuf [dreg:s9], $0x6FFFF;
	_ =	strace $0x90000046  }
0xb5: {  	s29 =	simm.s32 $0x9;
	_ =	strace $0x80000048  }
0xb6: {  	_ =	swait.ge [sflag:s29], $0x1  }
0xb7: {  	[sflag:s29] =	ssyncadd.s32 $0xFFFFFFFF  }
0xb8: {  	_ =	strace $0x90000048  }
0xb9: {  	_ =	sfence  }
0xba: {  	s30 =	sld [smem:$0x0];
	_ =	sdelay $0x2  }
0xbb: {  	s31 =	sshll.u32 s1, $0xD;
	s1 =	sshrl.u32 s1, $0x2  }
0xbc: {  	s3 =	sand.u32 $0x4000, s31;
	s1 =	sadd.s32 s1, s30  }
0xbd: {  	s0 =	sor.u32 s3, s0;
	s1 =	sshll.u32 s1, $0x11  }
0xbe: {  	s0 =	sor.u32 s1, s0  }
0xbf: {  	s0 =	sadd.s32 $0x8F2B, s0  }
0xc0: {  	[sflag:s0] =	ssyncadd.remote.s32 $0x1  }
0xc1: {  	_ =	sfence.sel $0xFFFF  }
0xc2: {  	[dreg:$0x0] =	wrdreg $0xFFFFFFFF;
	(pc) =	sbr.abs _section_cstart, $3  }
0xc3: {  	[dreg:$0x1] =	wrdreg $0xFFFFFFFF  }
0xc4: {  	_ =	task.clear_ibuf [dreg:s9], $0x2FFFF;
	_ =	strace $0x9FFFFFFF  }
0xc5: {  	(tm) =	ssettm $0x7FFFFFFF  }
tec
execute0_lowered:
.L_overlay_start_1:
0x0: {  	(tag) =	ssettag $0x1  }
0x1: {  	s0 =	srdreg.scid  }
0x2: {  	s30 =	sand.u32 $0x1, s0  }
0x3: {  	s0 =	stileid.u32;
	s1 =	sshll.u32 s30, $0x4  }
0x4: {  	s1 =	sor.u32 s0, s1  }
0x5: {  	s2 =	rddreg [dreg:$0x0];
	s4 =	smul.u32 $0x620, s1  }
0x6: {  	s8 =	rddreg [dreg:$0x1]  }
0x7: {  	s17 =	rddreg [dreg:$0x2];
	s3 =	simm.s32 $0x0;
	s13 =	smin.u32 s4, $0xBD30  }
0x8: {  	s5 =	simm.s32 $0x7;
	[smem:$0x7FF] =	sst s3;
	s4 =	sshrl.u32 s13, $0x3  }
0x9: {  	s1 =	rddreg [dreg:$0x3];
	_ =	strace $0x80000047;
	s4 =	sadd.s32 s8, s4  }
0xa: {  	[tilespmem:s3], [sflag:$0x7] =	stream.linear.gather [hbm4b:s4+s3], $0x140, $0x38;
	[tilespmem:$0x1E680] =	vst v63  }
0xb: {  	_ =	swait.ge [sflag:s5], $0x140  }
0xc: {  	s6 =	simm.s32 $0x140;
	s18 =	sadd.s32 $0x140, s13;
	[sflag:s5] =	ssyncset.done $0x0  }
0xd: {  	s7 =	simm.s32 $0x680;
	s9 =	sshrl.u32 s18, $0x3;
	[sflag:s5] =	ssyncadd.s32 $0xFFFFFEC0  }
0xe: {  	[tilespmem:s7], [sflag:$0x1] =	stream.indirect.gather [hbm4b:s2+s6], $0x80, s3, s6, $0xb8;
	[tilespmem:$0x1E680] =	vst v63  }
0xf: {  	s8 =	sadd.s32 s8, s9  }
0x10: {  	[tilespmem:s6], [sflag:$0x7] =	stream.linear.gather [hbm4b:s8+s3], $0x4E0, $0x38;
	[tilespmem:$0x1E680] =	vst v63  }
0x11: {  	_ =	swait.ge [sflag:s5], $0x4E0  }
0x12: {  	[sflag:s5] =	ssyncset.done $0x0  }
0x13: {  	s9 =	simm.s32 $0xA680;
	[sflag:s5] =	ssyncadd.s32 $0xFFFFFB20  }
0x14: {  	[tilespmem:s9], [sflag:$0x2] =	stream.indirect.gather [hbm4b:s2+s6], $0x80, s6, s6, $0xb8;
	[tilespmem:$0x1E680] =	vst v63  }
0x15: {  	s10 =	simm.s32 $0x280;
	s11 =	simm.s32 $0x14680;
	s12 =	simm.s32 $0x1  }
0x16: {  	[tilespmem:s11], [sflag:$0x3] =	stream.indirect.gather [hbm4b:s2+s6], $0x80, s10, s6, $0xb8;
	[tilespmem:$0x1E680] =	vst v63  }
0x17: {  	_ =	swait.ge [sflag:s12], $0xA000  }
0x18: {  	s13 =	sshll.u32 s13, $0x4;
	[sflag:s12] =	ssyncset.done $0x0  }
0x19: {  	s14 =	simm.s32 $0x4;
	s13 =	sadd.s32 s17, s13;
	[sflag:s12] =	ssyncadd.s32 $0xFFFF6000  }
0x1a: {  	[hbm4b:s13+s3] =	stream.linear.scatter [tilespmem:s7], [sflag:$0x4], $0xA000, $0x38;
	[tilespmem:$0x1E680] =	vst v63  }
0x1b: {  	_ =	swait.ge [sflag:s14], $0xA000  }
0x1c: {  	[sflag:s14] =	ssyncset.done $0x0  }
0x1d: {  	s15 =	simm.s32 $0x3C0;
	s16 =	simm.s32 $0x2;
	[sflag:s14] =	ssyncadd.s32 $0xFFFF6000  }
0x1e: {  	[tilespmem:s7], [sflag:$0x1] =	stream.indirect.gather [hbm4b:s2+s6], $0x80, s15, s6, $0xb8;
	[tilespmem:$0x1E680] =	vst v63  }
0x1f: {  	_ =	swait.ge [sflag:s16], $0xA000  }
0x20: {  	s18 =	sshll.u32 s18, $0x4;
	[sflag:s16] =	ssyncset.done $0x0  }
0x21: {  	s17 =	sadd.s32 s17, s18;
	s18 =	simm.s32 $0x5;
	[sflag:s16] =	ssyncadd.s32 $0xFFFF6000  }
0x22: {  	[hbm4b:s17+s3] =	stream.linear.scatter [tilespmem:s9], [sflag:$0x5], $0xA000, $0x38;
	[tilespmem:$0x1E680] =	vst v63  }
0x23: {  	_ =	swait.ge [sflag:s18], $0xA000  }
0x24: {  	s19 =	simm.s32 $0x100;
	[sflag:s18] =	ssyncset.done $0x0  }
0x25: {  	s20 =	simm.s32 $0x500;
	s21 =	simm.s32 $0x3;
	[sflag:s18] =	ssyncadd.s32 $0xFFFF6000  }
0x26: {  	[tilespmem:s9], [sflag:$0x2] =	stream.indirect.gather [hbm4b:s2+s19], $0x80, s20, s19, $0xb8;
	[tilespmem:$0x1E680] =	vst v63  }
0x27: {  	_ =	swait.ge [sflag:s21], $0xA000  }
0x28: {  	[sflag:s21] =	ssyncset.done $0x0  }
0x29: {  	s22 =	simm.s32 $0x6;
	s23 =	sadd.s32 $0x2800, s13;
	[sflag:s21] =	ssyncadd.s32 $0xFFFF6000  }
0x2a: {  	[hbm4b:s23+s3] =	stream.linear.scatter [tilespmem:s11], [sflag:$0x6], $0xA000, $0x38;
	[tilespmem:$0x1E680] =	vst v63  }
0x2b: {  	_ =	swait.ge [sflag:s22], $0xA000  }
0x2c: {  	[sflag:s22] =	ssyncset.done $0x0  }
0x2d: {  	s24 =	simm.s32 $0x20;
	s25 =	simm.s32 $0x600;
	[sflag:s22] =	ssyncadd.s32 $0xFFFF6000  }
0x2e: {  	[tilespmem:s11], [sflag:$0x3] =	stream.indirect.gather [hbm4b:s2+s24], $0x80, s25, s24, $0xb8;
	[tilespmem:$0x1E680] =	vst v63  }
0x2f: {  	_ =	swait.ge [sflag:s12], $0xA000  }
0x30: {  	[sflag:s12] =	ssyncset.done $0x0  }
0x31: {  	s26 =	sadd.s32 $0x3C00, s13;
	[sflag:s12] =	ssyncadd.s32 $0xFFFF6000  }
0x32: {  	[hbm4b:s26+s3] =	stream.linear.scatter [tilespmem:s7], [sflag:$0x4], $0xA000, $0x38;
	[tilespmem:$0x1E680] =	vst v63  }
0x33: {  	_ =	swait.ge [sflag:s16], $0x8000  }
0x34: {  	[sflag:s16] =	ssyncset.done $0x0  }
0x35: {  	s28 =	sadd.s32 $0x5000, s13;
	[sflag:s16] =	ssyncadd.s32 $0xFFFF8000  }
0x36: {  	[hbm4b:s28+s3] =	stream.linear.scatter [tilespmem:s9], [sflag:$0x5], $0x8000, $0x38;
	[tilespmem:$0x1E680] =	vst v63  }
0x37: {  	_ =	swait.ge [sflag:s21], $0x1000  }
0x38: {  	s30 =	ssub.s32 $0x2, s30;
	[sflag:s21] =	ssyncset.done $0x0  }
0x39: {  	s31 =	sshrl.u32 s30, $0x1;
	s29 =	sadd.s32 $0x6000, s13;
	[sflag:s21] =	ssyncadd.s32 $0xFFFFF000  }
0x3a: {  	[hbm4b:s29+s3] =	stream.linear.scatter [tilespmem:s11], [sflag:$0x6], $0x1000, $0x38;
	[tilespmem:$0x1E680] =	vst v63  }
0x3b: {  	s30 =	ssub.s32 s30, s31;
	_ =	swait.ge [sflag:s14], $0xA000  }
0x3c: {  	s30 =	smax.u32 s30, $0x1;
	[sflag:s14] =	ssyncset.done $0x0  }
0x3d: {  	p0 =	sne.s32 s30, $0x1;
	[sflag:s14] =	ssyncadd.s32 $0xFFFF6000  }
.Ltmp0:
0x3e: {  	_ =	swait.ge [sflag:s18], $0x8000;
	(pc) =	sbr.rel @!p0 .LBB2_2-.Ltmp0, $4  }
0x3f: {  	[sflag:s18] =	ssyncset.done $0x0  }
0x40: {  	[sflag:s18] =	ssyncadd.s32 $0xFFFF8000  }
0x41: {  	_ =	swait.ge [sflag:s22], $0x1000  }
0x42: {  	s30 =	sadd.s32 $0xFFFFFFFF, s30;
	[sflag:s22] =	ssyncset.done $0x0  }
.LBB2_1:
0x43: {  	p0 =	sne.s32 s30, $0x1;
	s30 =	sadd.s32 $0xFFFFFFFF, s30;
	[sflag:s22] =	ssyncadd.s32 $0xFFFFF000  }
0x44: {  	[tilespmem:s3], [sflag:$0x7] =	stream.linear.gather [hbm4b:s4+s3], $0x140, $0x38;
	[tilespmem:$0x1E680] =	vst v63  }
0x45: {  	_ =	swait.ge [sflag:s5], $0x140  }
0x46: {  	[sflag:s5] =	ssyncset.done $0x0  }
0x47: {  	[sflag:s5] =	ssyncadd.s32 $0xFFFFFEC0  }
0x48: {  	[tilespmem:s7], [sflag:$0x1] =	stream.indirect.gather [hbm4b:s2+s6], $0x80, s3, s6, $0xb8;
	[tilespmem:$0x1E680] =	vst v63  }
0x49: {  	_ = 	snop  }
0x4a: {  	[tilespmem:s6], [sflag:$0x7] =	stream.linear.gather [hbm4b:s8+s3], $0x4E0, $0x38;
	[tilespmem:$0x1E680] =	vst v63  }
0x4b: {  	_ =	swait.ge [sflag:s5], $0x4E0  }
0x4c: {  	[sflag:s5] =	ssyncset.done $0x0  }
0x4d: {  	[sflag:s5] =	ssyncadd.s32 $0xFFFFFB20  }
0x4e: {  	[tilespmem:s9], [sflag:$0x2] =	stream.indirect.gather [hbm4b:s2+s6], $0x80, s6, s6, $0xb8;
	[tilespmem:$0x1E680] =	vst v63  }
0x4f: {  	_ = 	snop  }
0x50: {  	[tilespmem:s11], [sflag:$0x3] =	stream.indirect.gather [hbm4b:s2+s6], $0x80, s10, s6, $0xb8;
	[tilespmem:$0x1E680] =	vst v63  }
0x51: {  	_ =	swait.ge [sflag:s12], $0xA000  }
0x52: {  	[sflag:s12] =	ssyncset.done $0x0  }
0x53: {  	[sflag:s12] =	ssyncadd.s32 $0xFFFF6000  }
0x54: {  	[hbm4b:s13+s3] =	stream.linear.scatter [tilespmem:s7], [sflag:$0x4], $0xA000, $0x38;
	[tilespmem:$0x1E680] =	vst v63  }
0x55: {  	_ =	swait.ge [sflag:s14], $0xA000  }
0x56: {  	[sflag:s14] =	ssyncset.done $0x0  }
0x57: {  	[sflag:s14] =	ssyncadd.s32 $0xFFFF6000  }
0x58: {  	[tilespmem:s7], [sflag:$0x1] =	stream.indirect.gather [hbm4b:s2+s6], $0x80, s15, s6, $0xb8;
	[tilespmem:$0x1E680] =	vst v63  }
0x59: {  	_ =	swait.ge [sflag:s16], $0xA000  }
0x5a: {  	[sflag:s16] =	ssyncset.done $0x0  }
0x5b: {  	[sflag:s16] =	ssyncadd.s32 $0xFFFF6000  }
0x5c: {  	[hbm4b:s17+s3] =	stream.linear.scatter [tilespmem:s9], [sflag:$0x5], $0xA000, $0x38;
	[tilespmem:$0x1E680] =	vst v63  }
0x5d: {  	_ =	swait.ge [sflag:s18], $0xA000  }
0x5e: {  	[sflag:s18] =	ssyncset.done $0x0  }
0x5f: {  	[sflag:s18] =	ssyncadd.s32 $0xFFFF6000  }
0x60: {  	[tilespmem:s9], [sflag:$0x2] =	stream.indirect.gather [hbm4b:s2+s19], $0x80, s20, s19, $0xb8;
	[tilespmem:$0x1E680] =	vst v63  }
0x61: {  	_ =	swait.ge [sflag:s21], $0xA000  }
0x62: {  	[sflag:s21] =	ssyncset.done $0x0  }
0x63: {  	[sflag:s21] =	ssyncadd.s32 $0xFFFF6000  }
0x64: {  	[hbm4b:s23+s3] =	stream.linear.scatter [tilespmem:s11], [sflag:$0x6], $0xA000, $0x38;
	[tilespmem:$0x1E680] =	vst v63  }
0x65: {  	_ =	swait.ge [sflag:s22], $0xA000  }
0x66: {  	[sflag:s22] =	ssyncset.done $0x0  }
0x67: {  	[sflag:s22] =	ssyncadd.s32 $0xFFFF6000  }
0x68: {  	[tilespmem:s11], [sflag:$0x3] =	stream.indirect.gather [hbm4b:s2+s24], $0x80, s25, s24, $0xb8;
	[tilespmem:$0x1E680] =	vst v63  }
0x69: {  	_ =	swait.ge [sflag:s12], $0xA000  }
0x6a: {  	[sflag:s12] =	ssyncset.done $0x0  }
0x6b: {  	[sflag:s12] =	ssyncadd.s32 $0xFFFF6000  }
0x6c: {  	[hbm4b:s26+s3] =	stream.linear.scatter [tilespmem:s7], [sflag:$0x4], $0xA000, $0x38;
	[tilespmem:$0x1E680] =	vst v63  }
0x6d: {  	_ =	swait.ge [sflag:s16], $0x8000  }
0x6e: {  	[sflag:s16] =	ssyncset.done $0x0  }
0x6f: {  	[sflag:s16] =	ssyncadd.s32 $0xFFFF8000  }
0x70: {  	[hbm4b:s28+s3] =	stream.linear.scatter [tilespmem:s9], [sflag:$0x5], $0x8000, $0x38;
	[tilespmem:$0x1E680] =	vst v63  }
0x71: {  	_ =	swait.ge [sflag:s21], $0x1000  }
0x72: {  	[sflag:s21] =	ssyncset.done $0x0  }
0x73: {  	[sflag:s21] =	ssyncadd.s32 $0xFFFFF000  }
0x74: {  	[hbm4b:s29+s3] =	stream.linear.scatter [tilespmem:s11], [sflag:$0x6], $0x1000, $0x38;
	[tilespmem:$0x1E680] =	vst v63  }
0x75: {  	_ =	swait.ge [sflag:s14], $0xA000  }
0x76: {  	[sflag:s14] =	ssyncset.done $0x0  }
0x77: {  	[sflag:s14] =	ssyncadd.s32 $0xFFFF6000  }
.Ltmp1:
0x78: {  	_ =	swait.ge [sflag:s18], $0x8000;
	(pc) =	sbr.rel @p0 .LBB2_1-.Ltmp1, $4  }
0x79: {  	[sflag:s18] =	ssyncset.done $0x0  }
0x7a: {  	[sflag:s18] =	ssyncadd.s32 $0xFFFF8000  }
0x7b: {  	_ =	swait.ge [sflag:s22], $0x1000  }
0x7c: {  	[sflag:s22] =	ssyncset.done $0x0  }
.LBB2_2:
0x7d: {  	[sflag:s22] =	ssyncadd.s32 $0xFFFFF000  }
0x7e: {  	_ =	sfence.sel $0x180000  }
0x7f: {  	[bflag:$0x0] =	sbarrier.arrive $0xFFFF  }
0x80: {  	p0 =	sne.s32 s0, $0x0;
	_ =	strace $0x90000047  }
0x81: {  	s0 =	sadd.s32 @!p0 $0x100000, s1;
	[bflag:$0x2] =	sbarrier.arrive $0xFFFF  }
0x82: {  	[sflag:s0] =	ssyncadd.tile.s32 @!p0 $0x1;
	_ =	shalt  }
.Lfunc_end2:
_tile_overlayer_lowered:
.L_overlay_start_2:
0x83: {  	(tag) =	ssettag $0x2  }
0x84: {  	s0 =	rddreg [dreg:$0x0];
	s2 =	stileid.u32  }
0x85: {  	s1 =	rddreg [dreg:$0x1];
	p0 =	sne.s32 s2, $0x0  }
0x86: {  	s3 =	rddreg [dreg:$0x2];
	[bflag:$0x3] =	sbarrier.arrive $0xFFFF;
	s2 =	simm.s32 @!p0 $0x1C07  }
0x87: {  	[timem:s3], [sflag:s2] =	dma.local @!p0 [hbm:s0], s1  }
0x88: {  	s0 =	simm.s32 @!p0 $0x7  }
0x89: {  	_ =	swait.ge @!p0 [sflag:s0], s1  }
0x8a: {  	s1 =	ssub.s32 @!p0 $0x0, s1;
	[sflag:s0] =	ssyncset.done @!p0 $0x0  }
0x8b: {  	[sflag:s0] =	ssyncadd.s32 @!p0 s1  }
0x8c: {  	[bflag:$0x3] =	sbarrier.arrive $0xFFFF  }
0x8d: {  	_ =	shalt  }

</sc_bundles>
